<compile_context>
chip_gen: v7x
topology: tpu7x:2x2x1
jax: 0.10.2.dev20260603
libtpu: 0.0.44.dev20260713+nightly
codegen_flags: <defaults>
</compile_context>

<pallas_src>
import jax
import jax.numpy as jnp
from jax import lax
from jax.experimental import pallas as pl

_L = 50
_D = 128
_V = 32
_CPAD = 16


def _body(y_ref, ch_ref, mz_ref, pe_ref, emb_ref, chw_ref,
          g1_ref, b1_ref, g2_ref, b2_ref, mzd_ref, ob_ref, out_ref):
    rows = out_ref.shape[0]
    bb = ch_ref.shape[-1]

    t = pe_ref[...] + emb_ref[...]
    mu = jnp.mean(t, axis=-1, keepdims=True)
    var = jnp.mean((t - mu) * (t - mu), axis=-1, keepdims=True)
    fused = (t - mu) / jnp.sqrt(var + 1e-5) * g1_ref[...] + b1_ref[...]

    ch = ch_ref[0, 0, :]
    oc = (ch[:, None] == lax.broadcasted_iota(jnp.int32, (bb, _CPAD), 1))
    cemb = jnp.dot(oc.astype(jnp.float32), chw_ref[...],
                   preferred_element_type=jnp.float32)
    inp = jnp.floor(mz_ref[0, 0, :] / 0.001)
    arg = inp[:, None] * mzd_ref[...]
    par = lax.broadcasted_iota(jnp.int32, (bb, _D), 1) % 2
    mzpe = jnp.where(par == 0, jnp.sin(arg), jnp.cos(arg))
    bits = lax.bitcast_convert_type(mzpe, jnp.int32)
    bits = bits + 0x0FFF + ((bits >> 13) & 1)
    mzpe = lax.bitcast_convert_type(bits & jnp.int32(-8192), jnp.float32)
    extra = cemb + mzpe

    tok = y_ref[0, 0, :]
    ot = (tok[:, None] == lax.broadcasted_iota(jnp.int32, (rows, _V), 1))
    pep = jnp.dot(ot.astype(jnp.float32), fused,
                  preferred_element_type=jnp.float32)
    ext = jnp.dot(ob_ref[...], extra, preferred_element_type=jnp.float32)

    x = pep + ext
    m2 = jnp.mean(x, axis=-1, keepdims=True)
    msq = jnp.mean(x * x, axis=-1, keepdims=True)
    rs = lax.rsqrt(msq - m2 * m2 + 1e-5)
    out_ref[...] = (x - m2) * rs * g2_ref[...] + b2_ref[...]


def kernel(y, charge, mz, emb_w, charge_w, ln1_g, ln1_b, ln2_g, ln2_b,
           pe_table, mz_div):
    B, L = y.shape
    D = emb_w.shape[1]
    BB = 128
    ROWS = BB * L
    grid = B // BB

    y3 = y.reshape(grid, 1, ROWS)
    ch3 = charge.astype(jnp.int32).reshape(grid, 1, BB)
    mz3 = mz.reshape(grid, 1, BB)
    pe32 = pe_table[:_V]
    chw = jnp.zeros((_CPAD, D), jnp.float32).at[:charge_w.shape[0]].set(charge_w)
    mzd = jnp.repeat(mz_div, 2).reshape(1, D)
    ob = jnp.repeat(jnp.eye(BB, dtype=jnp.float32), L, axis=0)

    out2 = pl.pallas_call(
        _body,
        grid=(grid,),
        in_specs=[
            pl.BlockSpec((1, 1, ROWS), lambda i: (i, 0, 0)),
            pl.BlockSpec((1, 1, BB), lambda i: (i, 0, 0)),
            pl.BlockSpec((1, 1, BB), lambda i: (i, 0, 0)),
            pl.BlockSpec((_V, D), lambda i: (0, 0)),
            pl.BlockSpec((_V, D), lambda i: (0, 0)),
            pl.BlockSpec((_CPAD, D), lambda i: (0, 0)),
            pl.BlockSpec((1, D), lambda i: (0, 0)),
            pl.BlockSpec((1, D), lambda i: (0, 0)),
            pl.BlockSpec((1, D), lambda i: (0, 0)),
            pl.BlockSpec((1, D), lambda i: (0, 0)),
            pl.BlockSpec((1, D), lambda i: (0, 0)),
            pl.BlockSpec((ROWS, BB), lambda i: (0, 0)),
        ],
        out_specs=pl.BlockSpec((ROWS, D), lambda i: (i, 0)),
        out_shape=jax.ShapeDtypeStruct((B * L, D), jnp.float32),
    )(y3, ch3, mz3, pe32, emb_w, chw,
      ln1_g.reshape(1, D), ln1_b.reshape(1, D),
      ln2_g.reshape(1, D), ln2_b.reshape(1, D), mzd, ob)
    return out2.reshape(B, L, D)

# --- scband reference (transcript-rebuilt; emitter-appended) ---
"""Pipeline reference for scband-peptide-precursor-embedding-44641890074646 (READ-ONLY COPY).

The authoritative reference and input builder live on the scoring server;
editing this copy changes nothing except your own understanding.
"""

import jax, jax.numpy as jnp
import numpy as np

B = 4096
L = 50
D = 128
VOCAB = 32
MAXLEN = 200
L_MIN = 0.001
L_MAX = 10000.0


def _layernorm(x, g, b):
    m = jnp.mean(x, axis=-1, keepdims=True)
    v = jnp.var(x, axis=-1, keepdims=True)
    return (x - m) / jnp.sqrt(v + 1e-5) * g + b


def setup_inputs(seed: int = 0) -> dict:
    key = jax.random.key(seed)
    k1, k2, k3, k4, k5 = jax.random.split(key, 5)
    y = jax.random.randint(k1, (B, L), 0, 30)
    charge = jax.random.randint(k2, (B,), 0, 10)
    mz = jax.random.uniform(k3, (B,), minval=0.0, maxval=2000.0, dtype=jnp.float32)
    # trainable params
    emb_w = jax.random.normal(k4, (VOCAB, D), dtype=jnp.float32) * 0.05  # xavier-ish
    charge_w = jax.random.normal(k5, (10, D), dtype=jnp.float32) * 0.05
    ln1_g = jnp.ones((D,), dtype=jnp.float32)
    ln1_b = jnp.zeros((D,), dtype=jnp.float32)
    ln2_g = jnp.ones((D,), dtype=jnp.float32)
    ln2_b = jnp.zeros((D,), dtype=jnp.float32)
    # buffers
    pos = jnp.arange(MAXLEN, dtype=jnp.float32)[:, None]
    dt = jnp.exp(jnp.arange(0, D, 2, dtype=jnp.float32) * (np.log(10000.0) / D))
    pe_table = jnp.zeros((MAXLEN, D), dtype=jnp.float32)
    pe_table = pe_table.at[:, 0::2].set(jnp.sin(pos * dt))
    pe_table = pe_table.at[:, 1::2].set(jnp.cos(pos * dt))
    mz_div = (L_MAX / L_MIN) * jnp.exp(
        jnp.arange(0, D, 2, dtype=jnp.float32) * (-np.log(L_MIN / (2.0 * np.pi)) / D)
    )
    return {
        "y": y,
        "charge": charge,
        "mz": mz,
        "emb_w": emb_w,
        "charge_w": charge_w,
        "ln1_g": ln1_g,
        "ln1_b": ln1_b,
        "ln2_g": ln2_g,
        "ln2_b": ln2_b,
        "pe_table": pe_table,
        "mz_div": mz_div,
    }


def reference(y, charge, mz, emb_w, charge_w, ln1_g, ln1_b, ln2_g, ln2_b, pe_table, mz_div):
    # PeptideEmbedding: fixed sinusoidal table indexed by token ids + learned embedding
    pos_emb = jnp.take(pe_table, y, axis=0)          # [B, L, D]
    tok_emb = jnp.take(emb_w, y, axis=0)             # [B, L, D]
    pep_emb = _layernorm(pos_emb + tok_emb, ln1_g, ln1_b)
    # charge embedding: [B, 1, D]
    charge_emb = jnp.take(charge_w, charge[:, None], axis=0)
    # MZPositionalEncoding on mz[:, None] -> [B, 1, D] in float16
    inp = jnp.floor(mz[:, None] / L_MIN)[..., None]  # [B, 1, 1], detached in torch
    inp = jax.lax.stop_gradient(inp)
    s = jnp.sin(inp * mz_div)
    c = jnp.cos(inp * mz_div)
    mz_pe = jnp.zeros((mz.shape[0], 1, D), dtype=jnp.float16)
    mz_pe = mz_pe.at[:, :, 0::2].set(s.astype(jnp.float16))
    mz_pe = mz_pe.at[:, :, 1::2].set(c.astype(jnp.float16))
    total = pep_emb + charge_emb + mz_pe.astype(jnp.float32)
    return _layernorm(total, ln2_g, ln2_b)

if __name__ == "__main__":
    import jax
    _d = setup_inputs()
    print(jax.jit(kernel)(*tuple(_d.values())))

</pallas_src>

<mosaic_0001>
module attributes {stable_mosaic.version = 14 : i64} {
  func.func @_body(%arg0: i32, %arg1: memref<1x1x6400xi32, #tpu.memory_space<vmem>>, %arg2: memref<1x1x128xi32, #tpu.memory_space<vmem>>, %arg3: memref<1x1x128xf32, #tpu.memory_space<vmem>>, %arg4: memref<32x128xf32, #tpu.memory_space<vmem>>, %arg5: memref<32x128xf32, #tpu.memory_space<vmem>>, %arg6: memref<16x128xf32, #tpu.memory_space<vmem>>, %arg7: memref<1x128xf32, #tpu.memory_space<vmem>>, %arg8: memref<1x128xf32, #tpu.memory_space<vmem>>, %arg9: memref<1x128xf32, #tpu.memory_space<vmem>>, %arg10: memref<1x128xf32, #tpu.memory_space<vmem>>, %arg11: memref<1x128xf32, #tpu.memory_space<vmem>>, %arg12: memref<6400x128xf32, #tpu.memory_space<vmem>>, %arg13: memref<6400x128xf32, #tpu.memory_space<vmem>>) attributes {dimension_semantics = [#tpu.dimension_semantics<arbitrary>], iteration_bounds = array<i64: 32>, scalar_prefetch = 0 : i64, scratch_operands = 0 : i64, tpu.core_type = #tpu.core_type<tc>, window_params = [{transform_indices = @transform_0, window_bounds = array<i64: 1, 1, 6400>}, {transform_indices = @transform_1, window_bounds = array<i64: 1, 1, 128>}, {transform_indices = @transform_2, window_bounds = array<i64: 1, 1, 128>}, {pipeline_mode = #tpu.pipeline_mode<synchronous>, transform_indices = @transform_3, window_bounds = array<i64: 32, 128>}, {pipeline_mode = #tpu.pipeline_mode<synchronous>, transform_indices = @transform_4, window_bounds = array<i64: 32, 128>}, {pipeline_mode = #tpu.pipeline_mode<synchronous>, transform_indices = @transform_5, window_bounds = array<i64: 16, 128>}, {pipeline_mode = #tpu.pipeline_mode<synchronous>, transform_indices = @transform_6, window_bounds = array<i64: 1, 128>}, {pipeline_mode = #tpu.pipeline_mode<synchronous>, transform_indices = @transform_7, window_bounds = array<i64: 1, 128>}, {pipeline_mode = #tpu.pipeline_mode<synchronous>, transform_indices = @transform_8, window_bounds = array<i64: 1, 128>}, {pipeline_mode = #tpu.pipeline_mode<synchronous>, transform_indices = @transform_9, window_bounds = array<i64: 1, 128>}, {pipeline_mode = #tpu.pipeline_mode<synchronous>, transform_indices = @transform_10, window_bounds = array<i64: 1, 128>}, {pipeline_mode = #tpu.pipeline_mode<synchronous>, transform_indices = @transform_11, window_bounds = array<i64: 6400, 128>}, {transform_indices = @transform_12, window_bounds = array<i64: 6400, 128>}]} {
    %get3A = arith.constant 0 : index
    %get3A_0 = arith.constant 0 : index
    %get3A_1 = vector.load %arg4[%get3A, %get3A_0] : memref<32x128xf32, #tpu.memory_space<vmem>>, vector<32x128xf32>
    %get3A_2 = arith.constant 0 : index
    %get3A_3 = arith.constant 0 : index
    %get3A_4 = vector.load %arg5[%get3A_2, %get3A_3] : memref<32x128xf32, #tpu.memory_space<vmem>>, vector<32x128xf32>
    %add3A = arith.addf %get3A_1, %get3A_4 : vector<32x128xf32>
    %reduce_sum3A = arith.constant dense<0.000000e+00> : vector<32xf32>
    %reduce_sum3A_5 = vector.multi_reduction <add>, %add3A, %reduce_sum3A [1] : vector<32x128xf32> to vector<32xf32>
    %broadcast_in_dim3A = vector.shape_cast %reduce_sum3A_5 : vector<32xf32> to vector<32x1xf32>
    %div3A = arith.constant 1.280000e+02 : f32
    %div3A_6 = vector.broadcast %div3A : f32 to vector<32x1xf32>
    %div3A_7 = arith.divf %broadcast_in_dim3A, %div3A_6 : vector<32x1xf32>
    %sub3A = vector.broadcast %div3A_7 : vector<32x1xf32> to vector<32x128xf32>
    %sub3A_8 = arith.subf %add3A, %sub3A : vector<32x128xf32>
    %sub3A_9 = vector.broadcast %div3A_7 : vector<32x1xf32> to vector<32x128xf32>
    %sub3A_10 = arith.subf %add3A, %sub3A_9 : vector<32x128xf32>
    %mul3A = arith.mulf %sub3A_8, %sub3A_10 : vector<32x128xf32>
    %reduce_sum3A_11 = arith.constant dense<0.000000e+00> : vector<32xf32>
    %reduce_sum3A_12 = vector.multi_reduction <add>, %mul3A, %reduce_sum3A_11 [1] : vector<32x128xf32> to vector<32xf32>
    %broadcast_in_dim3A_13 = vector.shape_cast %reduce_sum3A_12 : vector<32xf32> to vector<32x1xf32>
    %div3A_14 = arith.constant 1.280000e+02 : f32
    %div3A_15 = vector.broadcast %div3A_14 : f32 to vector<32x1xf32>
    %div3A_16 = arith.divf %broadcast_in_dim3A_13, %div3A_15 : vector<32x1xf32>
    %sub3A_17 = vector.broadcast %div3A_7 : vector<32x1xf32> to vector<32x128xf32>
    %sub3A_18 = arith.subf %add3A, %sub3A_17 : vector<32x128xf32>
    %add3A_19 = arith.constant 9.99999974E-6 : f32
    %add3A_20 = vector.broadcast %add3A_19 : f32 to vector<32x1xf32>
    %add3A_21 = arith.addf %div3A_16, %add3A_20 : vector<32x1xf32>
    %sqrt3A = math.sqrt %add3A_21 : vector<32x1xf32>
    %div3A_22 = vector.broadcast %sqrt3A : vector<32x1xf32> to vector<32x128xf32>
    %div3A_23 = arith.divf %sub3A_18, %div3A_22 : vector<32x128xf32>
    %get3A_24 = arith.constant 0 : index
    %get3A_25 = arith.constant 0 : index
    %get3A_26 = vector.load %arg7[%get3A_24, %get3A_25] : memref<1x128xf32, #tpu.memory_space<vmem>>, vector<1x128xf32>
    %mul3A_27 = vector.broadcast %get3A_26 : vector<1x128xf32> to vector<32x128xf32>
    %mul3A_28 = arith.mulf %div3A_23, %mul3A_27 : vector<32x128xf32>
    %get3A_29 = arith.constant 0 : index
    %get3A_30 = arith.constant 0 : index
    %get3A_31 = vector.load %arg8[%get3A_29, %get3A_30] : memref<1x128xf32, #tpu.memory_space<vmem>>, vector<1x128xf32>
    %add3A_32 = vector.broadcast %get3A_31 : vector<1x128xf32> to vector<32x128xf32>
    %add3A_33 = arith.addf %mul3A_28, %add3A_32 : vector<32x128xf32>
    %get3A_34 = arith.constant 0 : index
    %get3A_35 = arith.constant 0 : index
    %get3A_36 = arith.constant 0 : index
    %get3A_37 = vector.load %arg2[%get3A_34, %get3A_35, %get3A_36] : memref<1x1x128xi32, #tpu.memory_space<vmem>>, vector<1x1x128xi32>
    %get3A_38 = vector.shape_cast %get3A_37 : vector<1x1x128xi32> to vector<128xi32>
    %broadcast_in_dim3A_39 = vector.shape_cast %get3A_38 : vector<128xi32> to vector<128x1xi32>
    %iota3A = tpu.iota {dimensions = array<i32: 1>} : vector<128x16xi32>
    %eq3A = vector.broadcast %broadcast_in_dim3A_39 : vector<128x1xi32> to vector<128x16xi32>
    %eq3A_40 = arith.cmpi eq, %eq3A, %iota3A : vector<128x16xi32>
    %convert_element_type3A = arith.extui %eq3A_40 : vector<128x16xi1> to vector<128x16xi32>
    %convert_element_type3A_41 = arith.sitofp %convert_element_type3A : vector<128x16xi32> to vector<128x16xf32>
    %get3A_42 = arith.constant 0 : index
    %get3A_43 = arith.constant 0 : index
    %get3A_44 = vector.load %arg6[%get3A_42, %get3A_43] : memref<16x128xf32, #tpu.memory_space<vmem>>, vector<16x128xf32>
    %dot_general3A = arith.constant dense<0.000000e+00> : vector<128x128xf32>
    %dot_general3A_45 = tpu.matmul %convert_element_type3A_41, %get3A_44, %dot_general3A {dimension_numbers = #tpu.dot_dimension_numbers<[1], [0], [0], [1], [0, 0, 1, 1], [], []>, transpose_lhs_hint = false} : vector<128x16xf32>, vector<16x128xf32>, vector<128x128xf32> -> vector<128x128xf32>
    %get3A_46 = arith.constant 0 : index
    %get3A_47 = arith.constant 0 : index
    %get3A_48 = arith.constant 0 : index
    %get3A_49 = vector.load %arg3[%get3A_46, %get3A_47, %get3A_48] : memref<1x1x128xf32, #tpu.memory_space<vmem>>, vector<1x1x128xf32>
    %get3A_50 = vector.shape_cast %get3A_49 : vector<1x1x128xf32> to vector<128xf32>
    %div3A_51 = arith.constant 1.000000e-03 : f32
    %div3A_52 = vector.broadcast %div3A_51 : f32 to vector<128xf32>
    %div3A_53 = arith.divf %get3A_50, %div3A_52 : vector<128xf32>
    %floor3A = math.floor %div3A_53 : vector<128xf32>
    %broadcast_in_dim3A_54 = vector.shape_cast %floor3A : vector<128xf32> to vector<128x1xf32>
    %get3A_55 = arith.constant 0 : index
    %get3A_56 = arith.constant 0 : index
    %get3A_57 = vector.load %arg11[%get3A_55, %get3A_56] : memref<1x128xf32, #tpu.memory_space<vmem>>, vector<1x128xf32>
    %mul3A_58 = vector.broadcast %broadcast_in_dim3A_54 : vector<128x1xf32> to vector<128x128xf32>
    %mul3A_59 = vector.broadcast %get3A_57 : vector<1x128xf32> to vector<128x128xf32>
    %mul3A_60 = arith.mulf %mul3A_58, %mul3A_59 : vector<128x128xf32>
    %iota3A_61 = tpu.iota {dimensions = array<i32: 1>} : vector<128x128xi32>
    %jit3A = arith.constant 2 : i32
    %eq3A_62 = arith.constant 0 : i32
    %eq3A_63 = arith.cmpi eq, %jit3A, %eq3A_62 : i32
    %jit3A_64 = arith.constant 1 : i32
    %select_n3A = arith.select %eq3A_63, %jit3A_64, %jit3A : i32
    %rem3A = vector.broadcast %select_n3A : i32 to vector<128x128xi32>
    %rem3A_65 = arith.remsi %iota3A_61, %rem3A : vector<128x128xi32>
    %ne3A = arith.constant 0 : i32
    %ne3A_66 = vector.broadcast %ne3A : i32 to vector<128x128xi32>
    %ne3A_67 = arith.cmpi ne, %rem3A_65, %ne3A_66 : vector<128x128xi32>
    %lt3A = arith.constant 0 : i32
    %lt3A_68 = vector.broadcast %lt3A : i32 to vector<128x128xi32>
    %lt3A_69 = arith.cmpi slt, %rem3A_65, %lt3A_68 : vector<128x128xi32>
    %lt3A_70 = arith.constant 0 : i32
    %lt3A_71 = arith.cmpi slt, %select_n3A, %lt3A_70 : i32
    %ne3A_72 = vector.broadcast %lt3A_71 : i1 to vector<128x128xi1>
    %ne3A_73 = vector.broadcast %ne3A_72 : vector<128x128xi1> to vector<128x128xi1>
    %ne3A_74 = arith.xori %lt3A_69, %ne3A_73 : vector<128x128xi1>
    %and3A = arith.andi %ne3A_74, %ne3A_67 : vector<128x128xi1>
    %add3A_75 = vector.broadcast %select_n3A : i32 to vector<128x128xi32>
    %add3A_76 = arith.addi %rem3A_65, %add3A_75 : vector<128x128xi32>
    %select_n3A_77 = arith.select %and3A, %add3A_76, %rem3A_65 : vector<128x128xi1>, vector<128x128xi32>
    %eq3A_78 = arith.constant 0 : i32
    %eq3A_79 = vector.broadcast %eq3A_78 : i32 to vector<128x128xi32>
    %eq3A_80 = arith.cmpi eq, %select_n3A_77, %eq3A_79 : vector<128x128xi32>
    %sin3A = math.sin %mul3A_60 : vector<128x128xf32>
    %cos3A = math.cos %mul3A_60 : vector<128x128xf32>
    %select_n3A_81 = arith.select %eq3A_80, %sin3A, %cos3A : vector<128x128xi1>, vector<128x128xf32>
    %bitcast_convert_type3A = tpu.bitcast %select_n3A_81 : vector<128x128xf32> -> vector<128x128xi32>
    %add3A_82 = arith.constant 4095 : i32
    %add3A_83 = vector.broadcast %add3A_82 : i32 to vector<128x128xi32>
    %add3A_84 = arith.addi %bitcast_convert_type3A, %add3A_83 : vector<128x128xi32>
    %shift_right_arithmetic3A = arith.constant 13 : i32
    %shift_right_arithmetic3A_85 = vector.broadcast %shift_right_arithmetic3A : i32 to vector<128x128xi32>
    %shift_right_arithmetic3A_86 = arith.shrsi %bitcast_convert_type3A, %shift_right_arithmetic3A_85 : vector<128x128xi32>
    %and3A_87 = arith.constant 1 : i32
    %and3A_88 = vector.broadcast %and3A_87 : i32 to vector<128x128xi32>
    %and3A_89 = arith.andi %shift_right_arithmetic3A_86, %and3A_88 : vector<128x128xi32>
    %add3A_90 = arith.addi %add3A_84, %and3A_89 : vector<128x128xi32>
    %and3A_91 = arith.constant -8192 : i32
    %and3A_92 = vector.broadcast %and3A_91 : i32 to vector<128x128xi32>
    %and3A_93 = arith.andi %add3A_90, %and3A_92 : vector<128x128xi32>
    %bitcast_convert_type3A_94 = tpu.bitcast %and3A_93 : vector<128x128xi32> -> vector<128x128xf32>
    %add3A_95 = arith.addf %dot_general3A_45, %bitcast_convert_type3A_94 : vector<128x128xf32>
    %get3A_96 = arith.constant 0 : index
    %get3A_97 = arith.constant 0 : index
    %get3A_98 = arith.constant 0 : index
    %get3A_99 = vector.load %arg1[%get3A_96, %get3A_97, %get3A_98] : memref<1x1x6400xi32, #tpu.memory_space<vmem>>, vector<1x1x6400xi32>
    %get3A_100 = vector.shape_cast %get3A_99 : vector<1x1x6400xi32> to vector<6400xi32>
    %broadcast_in_dim3A_101 = vector.shape_cast %get3A_100 : vector<6400xi32> to vector<6400x1xi32>
    %iota3A_102 = tpu.iota {dimensions = array<i32: 1>} : vector<6400x32xi32>
    %eq3A_103 = vector.broadcast %broadcast_in_dim3A_101 : vector<6400x1xi32> to vector<6400x32xi32>
    %eq3A_104 = arith.cmpi eq, %eq3A_103, %iota3A_102 : vector<6400x32xi32>
    %convert_element_type3A_105 = arith.extui %eq3A_104 : vector<6400x32xi1> to vector<6400x32xi32>
    %convert_element_type3A_106 = arith.sitofp %convert_element_type3A_105 : vector<6400x32xi32> to vector<6400x32xf32>
    %dot_general3A_107 = arith.constant dense<0.000000e+00> : vector<6400x128xf32>
    %dot_general3A_108 = tpu.matmul %convert_element_type3A_106, %add3A_33, %dot_general3A_107 {dimension_numbers = #tpu.dot_dimension_numbers<[1], [0], [0], [1], [0, 0, 1, 1], [], []>, transpose_lhs_hint = false} : vector<6400x32xf32>, vector<32x128xf32>, vector<6400x128xf32> -> vector<6400x128xf32>
    %get3A_109 = arith.constant 0 : index
    %get3A_110 = arith.constant 0 : index
    %get3A_111 = vector.load %arg12[%get3A_109, %get3A_110] : memref<6400x128xf32, #tpu.memory_space<vmem>>, vector<6400x128xf32>
    %dot_general3A_112 = arith.constant dense<0.000000e+00> : vector<6400x128xf32>
    %dot_general3A_113 = tpu.matmul %get3A_111, %add3A_95, %dot_general3A_112 {dimension_numbers = #tpu.dot_dimension_numbers<[1], [0], [0], [1], [0, 0, 1, 1], [], []>, transpose_lhs_hint = false} : vector<6400x128xf32>, vector<128x128xf32>, vector<6400x128xf32> -> vector<6400x128xf32>
    %add3A_114 = arith.addf %dot_general3A_108, %dot_general3A_113 : vector<6400x128xf32>
    %reduce_sum3A_115 = arith.constant dense<0.000000e+00> : vector<6400xf32>
    %reduce_sum3A_116 = vector.multi_reduction <add>, %add3A_114, %reduce_sum3A_115 [1] : vector<6400x128xf32> to vector<6400xf32>
    %broadcast_in_dim3A_117 = vector.shape_cast %reduce_sum3A_116 : vector<6400xf32> to vector<6400x1xf32>
    %div3A_118 = arith.constant 1.280000e+02 : f32
    %div3A_119 = vector.broadcast %div3A_118 : f32 to vector<6400x1xf32>
    %div3A_120 = arith.divf %broadcast_in_dim3A_117, %div3A_119 : vector<6400x1xf32>
    %mul3A_121 = arith.mulf %add3A_114, %add3A_114 : vector<6400x128xf32>
    %reduce_sum3A_122 = arith.constant dense<0.000000e+00> : vector<6400xf32>
    %reduce_sum3A_123 = vector.multi_reduction <add>, %mul3A_121, %reduce_sum3A_122 [1] : vector<6400x128xf32> to vector<6400xf32>
    %broadcast_in_dim3A_124 = vector.shape_cast %reduce_sum3A_123 : vector<6400xf32> to vector<6400x1xf32>
    %div3A_125 = arith.constant 1.280000e+02 : f32
    %div3A_126 = vector.broadcast %div3A_125 : f32 to vector<6400x1xf32>
    %div3A_127 = arith.divf %broadcast_in_dim3A_124, %div3A_126 : vector<6400x1xf32>
    %mul3A_128 = arith.mulf %div3A_120, %div3A_120 : vector<6400x1xf32>
    %sub3A_129 = arith.subf %div3A_127, %mul3A_128 : vector<6400x1xf32>
    %add3A_130 = arith.constant 9.99999974E-6 : f32
    %add3A_131 = vector.broadcast %add3A_130 : f32 to vector<6400x1xf32>
    %add3A_132 = arith.addf %sub3A_129, %add3A_131 : vector<6400x1xf32>
    %rsqrt3A = math.rsqrt %add3A_132 : vector<6400x1xf32>
    %sub3A_133 = vector.broadcast %div3A_120 : vector<6400x1xf32> to vector<6400x128xf32>
    %sub3A_134 = arith.subf %add3A_114, %sub3A_133 : vector<6400x128xf32>
    %mul3A_135 = vector.broadcast %rsqrt3A : vector<6400x1xf32> to vector<6400x128xf32>
    %mul3A_136 = arith.mulf %sub3A_134, %mul3A_135 : vector<6400x128xf32>
    %get3A_137 = arith.constant 0 : index
    %get3A_138 = arith.constant 0 : index
    %get3A_139 = vector.load %arg9[%get3A_137, %get3A_138] : memref<1x128xf32, #tpu.memory_space<vmem>>, vector<1x128xf32>
    %mul3A_140 = vector.broadcast %get3A_139 : vector<1x128xf32> to vector<6400x128xf32>
    %mul3A_141 = arith.mulf %mul3A_136, %mul3A_140 : vector<6400x128xf32>
    %get3A_142 = arith.constant 0 : index
    %get3A_143 = arith.constant 0 : index
    %get3A_144 = vector.load %arg10[%get3A_142, %get3A_143] : memref<1x128xf32, #tpu.memory_space<vmem>>, vector<1x128xf32>
    %add3A_145 = vector.broadcast %get3A_144 : vector<1x128xf32> to vector<6400x128xf32>
    %add3A_146 = arith.addf %mul3A_141, %add3A_145 : vector<6400x128xf32>
    %swap3A = arith.constant 0 : index
    %swap3A_147 = arith.constant 0 : index
    %swap3A_148 = vector.load %arg13[%swap3A, %swap3A_147] : memref<6400x128xf32, #tpu.memory_space<vmem>>, vector<6400x128xf32>
    tpu.vector_store %arg13[%swap3A, %swap3A_147], %add3A_146 {strides = array<i32>} : memref<6400x128xf32, #tpu.memory_space<vmem>>, vector<6400x128xf32>,
    return
  }
  func.func @transform_0(%arg0: i32) -> (i32, i32, i32) {
    %c0_i32 = arith.constant 0 : i32
    %c0_i32_0 = arith.constant 0 : i32
    %c0_i32_1 = arith.constant 0 : i32
    return %arg0, %c0_i32, %c0_i32_0 : i32, i32, i32
  }
  func.func @transform_1(%arg0: i32) -> (i32, i32, i32) {
    %c0_i32 = arith.constant 0 : i32
    %c0_i32_0 = arith.constant 0 : i32
    %c0_i32_1 = arith.constant 0 : i32
    return %arg0, %c0_i32, %c0_i32_0 : i32, i32, i32
  }
  func.func @transform_2(%arg0: i32) -> (i32, i32, i32) {
    %c0_i32 = arith.constant 0 : i32
    %c0_i32_0 = arith.constant 0 : i32
    %c0_i32_1 = arith.constant 0 : i32
    return %arg0, %c0_i32, %c0_i32_0 : i32, i32, i32
  }
  func.func @transform_3(%arg0: i32) -> (i32, i32) {
    %c0_i32 = arith.constant 0 : i32
    %c0_i32_0 = arith.constant 0 : i32
    %c0_i32_1 = arith.constant 0 : i32
    return %c0_i32, %c0_i32_0 : i32, i32
  }
  func.func @transform_4(%arg0: i32) -> (i32, i32) {
    %c0_i32 = arith.constant 0 : i32
    %c0_i32_0 = arith.constant 0 : i32
    %c0_i32_1 = arith.constant 0 : i32
    return %c0_i32, %c0_i32_0 : i32, i32
  }
  func.func @transform_5(%arg0: i32) -> (i32, i32) {
    %c0_i32 = arith.constant 0 : i32
    %c0_i32_0 = arith.constant 0 : i32
    %c0_i32_1 = arith.constant 0 : i32
    return %c0_i32, %c0_i32_0 : i32, i32
  }
  func.func @transform_6(%arg0: i32) -> (i32, i32) {
    %c0_i32 = arith.constant 0 : i32
    %c0_i32_0 = arith.constant 0 : i32
    %c0_i32_1 = arith.constant 0 : i32
    return %c0_i32, %c0_i32_0 : i32, i32
  }
  func.func @transform_7(%arg0: i32) -> (i32, i32) {
    %c0_i32 = arith.constant 0 : i32
    %c0_i32_0 = arith.constant 0 : i32
    %c0_i32_1 = arith.constant 0 : i32
    return %c0_i32, %c0_i32_0 : i32, i32
  }
  func.func @transform_8(%arg0: i32) -> (i32, i32) {
    %c0_i32 = arith.constant 0 : i32
    %c0_i32_0 = arith.constant 0 : i32
    %c0_i32_1 = arith.constant 0 : i32
    return %c0_i32, %c0_i32_0 : i32, i32
  }
  func.func @transform_9(%arg0: i32) -> (i32, i32) {
    %c0_i32 = arith.constant 0 : i32
    %c0_i32_0 = arith.constant 0 : i32
    %c0_i32_1 = arith.constant 0 : i32
    return %c0_i32, %c0_i32_0 : i32, i32
  }
  func.func @transform_10(%arg0: i32) -> (i32, i32) {
    %c0_i32 = arith.constant 0 : i32
    %c0_i32_0 = arith.constant 0 : i32
    %c0_i32_1 = arith.constant 0 : i32
    return %c0_i32, %c0_i32_0 : i32, i32
  }
  func.func @transform_11(%arg0: i32) -> (i32, i32) {
    %c0_i32 = arith.constant 0 : i32
    %c0_i32_0 = arith.constant 0 : i32
    %c0_i32_1 = arith.constant 0 : i32
    return %c0_i32, %c0_i32_0 : i32, i32
  }
  func.func @transform_12(%arg0: i32) -> (i32, i32) {
    %c0_i32 = arith.constant 0 : i32
    %c0_i32_0 = arith.constant 0 : i32
    return %arg0, %c0_i32 : i32, i32
  }
}

</mosaic_0001>

<sc_bundles>
// kernel: sparse-core-data-format-call.cloned.1.call-start
scs
called_computation_lowered:
.L_overlay_start_0:
0x0: {  	s2 =	sld [smem:$0x3FD9]  }
0x1: {  	s3 =	sld [smem:$0x3FFE];
	_ =	sdelay $0x1  }
0x2: {  	s1 =	srdreg.scid  }
0x3: {  	s0 =	sand.u32 $0x1, s1  }
0x4: {  	s18 =	sshll.u32 s0, $0xA;
	s2 =	sadd.s32 s3, s2  }
0x5: {  	s2 =	sadd.s32 s2, s18  }
0x6: {  	[smem:$0x3FBD] =	sst s2  }
0x7: {  	_ = 	snop  }
0x8: {  	s2 =	sld [smem:$0x3FD0];
	(tm) =	ssettm $0x1  }
0x9: {  	s19 =	sld [smem:$0x3FFB];
	_ =	sdelay $0x3  }
0xa: {  	_ =	strace s19  }
0xb: {  	s3 =	sld [smem:$0x3FFC];
	_ =	sdelay $0x3  }
0xc: {  	_ =	strace s3  }
0xd: {  	s3 =	sld [smem:$0x3FFD];
	_ =	sdelay $0x3  }
0xe: {  	_ =	strace s3  }
0xf: {  	_ =	strace $0x8FFFFFFF  }
0x10: {  	s20 =	sld [smem:$0x3FDB];
	_ =	sdelay $0x1  }
0x11: {  	s4 =	simm.s32 $_scs_section_size  }
0x12: {  	s5 =	simm.s32 $_size__tile_overlayer_lowered;
	s6 =	simm.s32 $_tile_overlayer_lowered  }
0x13: {  	s23 =	simm.s32 $0x1BFF;
	s22 =	sshll.u32 s6, $0x1;
	s3 =	sadd.s32 s4, s20  }
0x14: {  	s7 =	simm.s32 $0x0;
	s21 =	sshll.u32 s5, $0x1;
	s5 =	sadd.s32 s22, s3  }
0x15: {  	[timem:s7], [sflag:s23] =	dma.local [hbm:s5], s21  }
0x16: {  	_ =	swait.ge [sflag:s23], s21  }
0x17: {  	s4 =	ssub.s32 $0x0, s21;
	[sflag:s23] =	ssyncset.done $0x0  }
0x18: {  	[sflag:s23] =	ssyncadd.s32 s4;
	_ =	sdelay $0x1  }
0x19: {  	s24 =	simm.s32 $0x1B8B  }
0x1a: {  	_ =	swait.ge [sflag:s24], $0x1  }
0x1b: {  	[sflag:s24] =	ssyncset.done $0x0  }
0x1c: {  	s26 =	simm.s32 $0x1B8E;
	s25 =	sld [smem:$0x3FFE];
	[sflag:s24] =	ssyncadd.s32 $0xFFFFFFFF  }
0x1d: {  	s27 =	simm.s32 $execute0_lowered;
	[smem:$0x3FD2] =	sst s26  }
0x1e: {  	s5 =	sshll.u32 s27, $0x1;
	_ =	strace $0x80000046;
	[dreg:$0x1] =	wrdreg $0xFFFFFFFF  }
0x1f: {  	s28 =	simm.s32 $_size_execute0_lowered;
	s3 =	sadd.s32 s3, s5;
	[dreg:$0x0] =	wrdreg $0x0  }
0x20: {  	s5 =	sshll.u32 s28, $0x1;
	[dreg:$0x2] =	wrdreg s3  }
0x21: {  	[dreg:$0x3] =	wrdreg s5  }
0x22: {  	[dreg:$0x4] =	wrdreg $0xC0  }
0x23: {  	_ =	task [dreg:s7], $0x5FFFF  }
0x24: {  	[dreg:$0x1] =	wrdreg $0xFFFFFFFF  }
0x25: {  	[dreg:$0x0] =	wrdreg $0x60  }
0x26: {  	[dreg:$0x2] =	wrdreg s25  }
0x27: {  	[dreg:$0x3] =	wrdreg s2  }
0x28: {  	[dreg:$0x4] =	wrdreg $0x9  }
0x29: {  	_ =	task.clear_ibuf [dreg:s7], $0x5FFFF;
	_ =	strace $0x90000046  }
0x2a: {  	s29 =	simm.s32 $0x9;
	_ =	strace $0x80000048  }
0x2b: {  	_ =	swait.ge [sflag:s29], $0x1  }
0x2c: {  	[sflag:s29] =	ssyncadd.s32 $0xFFFFFFFF  }
0x2d: {  	_ =	strace $0x90000048  }
0x2e: {  	_ =	sfence  }
0x2f: {  	s30 =	sld [smem:$0x0];
	_ =	sdelay $0x2  }
0x30: {  	s31 =	sshll.u32 s1, $0xD;
	s1 =	sshrl.u32 s1, $0x2  }
0x31: {  	s3 =	sand.u32 $0x4000, s31;
	s1 =	sadd.s32 s1, s30  }
0x32: {  	s0 =	sor.u32 s3, s0;
	s1 =	sshll.u32 s1, $0x11  }
0x33: {  	s0 =	sor.u32 s1, s0  }
0x34: {  	s0 =	sadd.s32 $0x8F2B, s0  }
0x35: {  	[sflag:s0] =	ssyncadd.remote.s32 $0x1  }
0x36: {  	_ =	sfence.sel $0xFFFF  }
0x37: {  	[dreg:$0x0] =	wrdreg $0xFFFFFFFF;
	(pc) =	sbr.abs _section_cstart, $3  }
0x38: {  	[dreg:$0x1] =	wrdreg $0xFFFFFFFF  }
0x39: {  	_ =	task.clear_ibuf [dreg:s7], $0x2FFFF;
	_ =	strace $0x9FFFFFFF  }
0x3a: {  	(tm) =	ssettm $0x7FFFFFFF  }
0x3b: {  	_ =	shalt  }
tec
execute0_lowered:
.L_overlay_start_1:
0x0: {  	(tag) =	ssettag $0x1  }
0x1: {  	s0 =	srdreg.scid  }
0x2: {  	s1 =	sshll.u32 s0, $0x4  }
0x3: {  	s0 =	stileid.u32;
	s1 =	sand.u32 $0x10, s1  }
0x4: {  	s1 =	sor.u32 s0, s1  }
0x5: {  	s6 =	rddreg [dreg:$0x0];
	s4 =	simm.s32 $0x1;
	s2 =	sshll.u32 s1, $0x6  }
0x6: {  	s7 =	simm.s32 $0x2;
	s13 =	simm.s32 $0x0;
	s1 =	ssub.s32 $0x1000, s2  }
0x7: {  	s8 =	simm.s32 $0x2000;
	s9 =	simm.s32 $0x80000;
	s3 =	sand.u32 $0x7C0, s1  }
0x8: {  	s14 =	simm.s32 $0x0;
	s5 =	sshrl.u32 s1, $0xB;
	p0 =	sne.s32 s3, $0x0  }
.Ltmp0:
0x9: {  	s1 =	rddreg [dreg:$0x2];
	s4 =	simm.s32 @!p0 $0x0;
	(pc) =	sbr.rel .LBB1_1-.Ltmp0, $4  }
0xa: {  	s10 =	simm.s32 $0x0;
	s3 =	rddreg [dreg:$0x1];
	s5 =	sadd.s32 s4, s5  }
0xb: {  	_ =	strace $0x80000047;
	s4 =	simm.s32 $0x1;
	s5 =	smul.u32 $0x19, s5  }
0xc: {  	s12 =	simm.s32 $0x0;
	s6 =	sadd.s32 $0x1200, s6;
	[sflag:s4] =	ssyncpa.u1 $0x0  }
0xd: {  	s11 =	smov.u32 s2;
	[sflag:s7] =	ssyncpa.u1 $0x0;
	s7 =	sadd.s32 $0x1, s5  }
.LBB1_7:
0xe: {  	s15 =	sadd.s32 $0x2, s10  }
0xf: {  	s13 =	sadd.s32 $0x800, s11;
	s17 =	smov.u32 s11;
	p1 =	sgt.s32 s15, $0x31  }
0x10: {  	s17 =	smov.u32 @p1 s13  }
0x11: {  	s15 =	simm.s32 @p1 $0x0;
	p1 =	sgt.s32 s17, $0xFFF  }
0x12: {  	s17 =	smov.u32 @p1 s2;
	p1 =	sne.s32 s12, s7  }
.Ltmp1:
0x13: {  	p0 =	slt.u32 s12, $0x2;
	(pc) =	sbr.rel @!p1 .LBB1_8-.Ltmp1, $4  }
0x14: {  	s16 =	simm.s32 @!p0 $0x2  }
0x15: {  	s14 =	smov.u32 s11;
	_ =	swait.ge @!p0 [sflag:s16], $0x4000  }
0x16: {  	s13 =	smov.u32 s10;
	[sflag:s16] =	ssyncset.done @!p0 $0x0;
	s10 =	smov.u32 s15  }
0x17: {  	s12 =	sadd.s32 $0x1, s12;
	[sflag:s16] =	ssyncadd.s32 @!p0 $0xFFFFC000;
	s11 =	smov.u32 s17  }
.LBB1_1:
0x18: {  	p0 =	sge.u32 s12, s5  }
0x19: {  	s15 =	sand.u32 @!p0 $0x1FFFFFF, s10  }
0x1a: {  	s16 =	smulhi.u32 @!p0 $0x4924925, s15;
	_ =	sdelay $0x1  }
0x1b: {  	s16 =	smul.u32 @!p0 $0x38, s16  }
0x1c: {  	s17 =	sxor.u32 @!p0 $0xFFFFFFFF, s12;
	s18 =	smul.u32 @!p0 $0x380, s11  }
0x1d: {  	s31 =	sadd.s32 $0xFFFFFFFF, s12;
	s17 =	sshll.u32 @!p0 s17, $0xE;
	s15 =	ssub.s32 @!p0 s15, s16  }
0x1e: {  	s16 =	sand.u32 @!p0 $0x4000, s17;
	s17 =	sadd.s32 @!p0 s6, s18;
	s15 =	sshll.u32 @!p0 s15, $0x4  }
0x1f: {  	s18 =	simm.s32 @!p0 $0x1C00;
	s15 =	sadd.s32 @!p0 s15, s17;
	s17 =	simm.s32 @!p0 $0x100  }
0x20: {  	[tilespmem:s16], [sflag:$0x1] =	stream.strided.gather @!p0 [hbm4b:s15+s17], $0x4000, s18, s17, $0x38;
	[tilespmem:$0x10000] =	vst v63  }
0x21: {  	p0 =	sge.u32 s31, s5  }
.Ltmp2:
0x22: {  	_ = 	snop;
	(pc) =	sbr.rel @p0 .LBB1_7-.Ltmp2, $1  }
0x23: {  	_ =	sdelay $0x3  }
0x24: {  	_ =	swait.ge [sflag:s4], $0x4000;
	s15 =	sshll.u32 s12, $0xE  }
0x25: {  	[sflag:s4] =	ssyncset.done $0x0;
	s16 =	sand.u32 $0x4000, s15  }
0x26: {  	s17 =	simm.s32 $0x0;
	[sflag:s4] =	ssyncadd.s32 $0xFFFFC000;
	s15 =	sor.u32 $0x8000, s16  }
.LBB1_3:
0x27: {  	s18 =	sshll.u32 s17, $0x8  }
0x28: {  	s18 =	sand.u32 $0x3FFFFF00, s18  }
0x29: {  	s19 =	sshll.u32 s17, $0x7;
	s18 =	sadd.s32 s18, s16  }
0x2a: {  	s19 =	sand.u32 $0x3FFFFF80, s19;
	v0 =	vmov s18  }
0x2b: {  	s19 =	sadd.s32 s19, s15  }
0x2c: {  	p0 =	por $0x1, $0x1;
	v1 =	vmov s19;
	s18 =	simm.s32 $0x0  }
.LBB1_4:
0x2d: {  	s19 =	sshll.u32 s18, $0x7  }
0x2e: {  	s19 =	sand.u32 $0x3FFFFF80, s19  }
0x2f: {  	v2 =	vld.idx.msk [tilespmem:v0+s19+$0x0 ss:$0x1], $0xffff  }
0x30: {  	v3 =	vld.idx.msk [tilespmem:v0+s19+$0x10 ss:$0x1], $0xffff  }
0x31: {  	v4 =	vld.idx.msk [tilespmem:v0+s19+$0x20 ss:$0x1], $0xffff  }
0x32: {  	s31 =	sshll.u32 s18, $0xD;
	v5 =	vld.idx.msk [tilespmem:v0+s19+$0x30 ss:$0x1], $0xffff  }
0x33: {  	s18 =	sand.u32 $0x3FFFE000, s31;
	v6 =	vld.idx.msk [tilespmem:v0+s19+$0x40 ss:$0x1], $0xffff  }
0x34: {  	v63 =	vld.idx.msk [tilespmem:v0+s19+$0x70 ss:$0x1], $0xffff;
	[tilespmem:v1+s18+$0x0 ss:$0x1] =	vst.idx.msk $0xffff, v2  }
0x35: {  	v2 =	vld.idx.msk [tilespmem:v0+s19+$0x50 ss:$0x1], $0xffff;
	[tilespmem:v1+s18+$0x10 ss:$0x1] =	vst.idx.msk $0xffff, v3  }
0x36: {  	p1 =	por p0, p0;
	v3 =	vld.idx.msk [tilespmem:v0+s19+$0x60 ss:$0x1], $0xffff;
	[tilespmem:v1+s18+$0x20 ss:$0x1] =	vst.idx.msk $0xffff, v4  }
.Ltmp3:
0x37: {  	[tilespmem:v1+s18+$0x30 ss:$0x1] =	vst.idx.msk $0xffff, v5;
	(pc) =	sbr.rel @p1 .LBB1_4-.Ltmp3, $4  }
0x38: {  	[tilespmem:v1+s18+$0x40 ss:$0x1] =	vst.idx.msk $0xffff, v6  }
0x39: {  	[tilespmem:v1+s18+$0x70 ss:$0x1] =	vst.idx.msk $0xffff, v63  }
0x3a: {  	[tilespmem:v1+s18+$0x50 ss:$0x1] =	vst.idx.msk $0xffff, v2  }
0x3b: {  	p0 =	por $0x0, $0x0;
	[tilespmem:v1+s18+$0x60 ss:$0x1] =	vst.idx.msk $0xffff, v3;
	s18 =	simm.s32 $0x1  }
0x3c: {  	s17 =	sadd.s32 $0x1, s17  }
0x3d: {  	p0 =	sne.s32 s17, $0x40  }
.Ltmp4:
0x3e: {  	_ = 	snop;
	(pc) =	sbr.rel @p0 .LBB1_3-.Ltmp4, $1  }
0x3f: {  	_ =	sdelay $0x3  }
.Ltmp5:
0x40: {  	s14 =	sshll.u32 s14, $0x4;
	(pc) =	sbr.rel .LBB1_7-.Ltmp5, $4  }
0x41: {  	s14 =	sand.u32 $0xFFF0, s14  }
0x42: {  	s13 =	sshll.u32 s13, $0x10;
	s14 =	sadd.s32 s3, s14  }
0x43: {  	s13 =	sadd.s32 s13, s14  }
0x44: {  	[hbm4b:s13+s8] =	stream.strided.scatter [tilespmem:s15], [sflag:$0x2], $0x4000, s9, s8, $0x38;
	[tilespmem:$0x10000] =	vst v63  }
.LBB1_8:
0x45: {  	_ =	sfence.sel $0x180000  }
0x46: {  	s2 =	simm.s32 $0x1;
	[bflag:$0x0] =	sbarrier.arrive $0xFFFF  }
0x47: {  	s31 =	simm.s32 $0x2;
	[sflag:s2] =	ssyncpa.u1 $0x1  }
0x48: {  	[sflag:s31] =	ssyncpa.u1 $0x1  }
0x49: {  	p0 =	sne.s32 s0, $0x0;
	_ =	strace $0x90000047  }
0x4a: {  	s0 =	sadd.s32 @!p0 $0x100000, s1;
	[bflag:$0x2] =	sbarrier.arrive $0xFFFF  }
0x4b: {  	[sflag:s0] =	ssyncadd.tile.s32 @!p0 $0x1;
	_ =	shalt  }
.Lfunc_end1:
_tile_overlayer_lowered:
.L_overlay_start_2:
0x4c: {  	(tag) =	ssettag $0x2  }
0x4d: {  	s0 =	rddreg [dreg:$0x0];
	s2 =	stileid.u32  }
0x4e: {  	s1 =	rddreg [dreg:$0x1];
	p0 =	sne.s32 s2, $0x0  }
0x4f: {  	s3 =	rddreg [dreg:$0x2];
	[bflag:$0x3] =	sbarrier.arrive $0xFFFF;
	s2 =	simm.s32 @!p0 $0x1C01  }
0x50: {  	[timem:s3], [sflag:s2] =	dma.local @!p0 [hbm:s0], s1  }
0x51: {  	s0 =	simm.s32 @!p0 $0x1  }
0x52: {  	_ =	swait.ge @!p0 [sflag:s0], s1  }
0x53: {  	s1 =	ssub.s32 @!p0 $0x0, s1;
	[sflag:s0] =	ssyncset.done @!p0 $0x0  }
0x54: {  	[sflag:s0] =	ssyncadd.s32 @!p0 s1  }
0x55: {  	[bflag:$0x3] =	sbarrier.arrive $0xFFFF  }
0x56: {  	_ =	shalt  }

</sc_bundles>
